<compile_context>
chip_gen: v7x
topology: tpu7x:2x2x1
jax: 0.10.2.dev20260603
libtpu: 0.0.44.dev20260713+nightly
codegen_flags: <defaults>
</compile_context>

<pallas_src>
import functools

import jax
import jax.numpy as jnp
from jax import lax
from jax.experimental import pallas as pl
from jax.experimental.pallas import tpu as pltpu
from jax.experimental.pallas import tpu_sc as plsc

B, Z, H, W, C = 1, 4, 32, 64, 256
WZ, WH, WW = 2, 8, 8
NH = 8
E = 64
ATTR = 96
AH = 128
HID = 1024
N = B * Z * H * W
CAP = int(1.25 * N / E)
HD = C // NH
WSZ = WZ * WH * WW
NSLOT = E * CAP

NWORK = 32
CHUNK = N // NWORK
BUF_ROWS = NSLOT + NWORK
RCH = 256
NRCH = N // RCH
TB = 1024


NWPP = H // WH
RB = WZ * H * WW


def _attn_body(x_ref, af_ref, g_ref, b_ref, wqkv_ref, bqkv_ref,
               wa1_ref, ba1_ref, wa2_ref, ba2_ref, wr1c_ref, wr1a_ref,
               br1_ref, tril_ref, o_ref, a2_ref, dst_ref, scale_ref,
               zl_ref, bl_ref, lgacc_ref):
    ones_c8 = jnp.full((C, 8), 1.0 / C, jnp.float32)
    ones_8c = jnp.full((8, C), 1.0 / 8.0, jnp.float32)
    ib = lax.broadcasted_iota(jnp.int32, (NH * WSZ, NH), 0) // WSZ
    jb = lax.broadcasted_iota(jnp.int32, (NH * WSZ, NH), 1)
    onesbd = (ib == jb).astype(jnp.float32)
    ih = lax.broadcasted_iota(jnp.int32, (NH, C), 0)
    jh = lax.broadcasted_iota(jnp.int32, (NH, C), 1) // HD
    rhot = (ih == jh).astype(jnp.float32)

    xb = x_ref[...].reshape(RB, C)
    m8 = jnp.dot(xb, ones_c8, preferred_element_type=jnp.float32)
    e8 = jnp.dot(xb * xb, ones_c8, preferred_element_type=jnp.float32)
    r8 = lax.rsqrt(e8 - m8 * m8 + 1e-5)
    mr = jnp.dot(m8, ones_8c, preferred_element_type=jnp.float32)
    rr = jnp.dot(r8, ones_8c, preferred_element_type=jnp.float32)
    xn = (xb - mr) * rr * g_ref[...] + b_ref[...]
    qkv = jnp.dot(xn, wqkv_ref[...], preferred_element_type=jnp.float32)
    qkv = qkv + bqkv_ref[...]
    q = qkv[:, :C] * (HD ** -0.5)
    k = qkv[:, C:2 * C]
    vv = qkv[:, 2 * C:]
    chunks = [None] * (2 * NWPP)
    for w in range(NWPP):
        r0 = slice(64 * w, 64 * w + 64)
        r1 = slice(RB // 2 + 64 * w, RB // 2 + 64 * w + 64)
        qw = jnp.concatenate([q[r0], q[r1]], axis=0)
        kw = jnp.concatenate([k[r0], k[r1]], axis=0)
        vw = jnp.concatenate([vv[r0], vv[r1]], axis=0)
        exps = []
        outs = []
        for h in range(NH):
            sl = slice(h * HD, (h + 1) * HD)
            qh, kh, vh = qw[:, sl], kw[:, sl], vw[:, sl]
            s = lax.dot_general(qh, kh, (((1,), (1,)), ((), ())),
                                preferred_element_type=jnp.float32)
            eh = jnp.exp(s)
            exps.append(eh)
            outs.append(jnp.dot(eh, vh, preferred_element_type=jnp.float32))
        ecat = jnp.concatenate(exps, axis=1)
        denom = jnp.dot(ecat, onesbd, preferred_element_type=jnp.float32)
        rep = jnp.dot(1.0 / denom, rhot, preferred_element_type=jnp.float32)
        ow = jnp.concatenate(outs, axis=1) * rep
        chunks[w] = ow[:64]
        chunks[NWPP + w] = ow[64:]
    o = jnp.concatenate(chunks, axis=0)
    o_ref[...] = o.reshape(x_ref.shape)
    af = af_ref[...].reshape(RB, ATTR)
    a1 = jax.nn.gelu(jnp.dot(af, wa1_ref[...], preferred_element_type=jnp.float32)
                     + ba1_ref[...])
    a2 = jax.nn.gelu(jnp.dot(af, wa2_ref[...], preferred_element_type=jnp.float32)
                     + ba2_ref[...])
    a2_ref[...] = a2.reshape(a2_ref.shape)
    lg1 = (jnp.dot(o, wr1c_ref[...], preferred_element_type=jnp.float32)
           + jnp.dot(a1, wr1a_ref[...], preferred_element_type=jnp.float32)
           + br1_ref[...])
    i = pl.program_id(0)
    j = pl.program_id(1)
    lgacc_ref[pl.ds(WZ * i, WZ), :, pl.ds(WW * j, WW), :] = (
        lg1.reshape(WZ, H, WW, E))

    @pl.when(jnp.logical_and(i == Z // WZ - 1, j == W // WW - 1))
    def _():
        lg = lgacc_ref[...].reshape(N, E)
        _route_math(lg, tril_ref[...], dst_ref, scale_ref, zl_ref, bl_ref)


def _window_attention(x, attr, n1_g, n1_b, w_qkv, b_qkv,
                      wa1, ba1, wa2, ba2, wr1, br1):
    wr1c, wr1a = wr1[:C], wr1[C:]
    grid = (Z // WZ, W // WW)
    blk = (1, WZ, H, WW, C)
    return pl.pallas_call(
        _attn_body,
        grid=grid,
        in_specs=[
            pl.BlockSpec(blk, lambda i, j: (0, i, 0, j, 0)),
            pl.BlockSpec((1, WZ, H, WW, ATTR), lambda i, j: (0, i, 0, j, 0)),
            pl.BlockSpec((1, C), lambda i, j: (0, 0)),
            pl.BlockSpec((1, C), lambda i, j: (0, 0)),
            pl.BlockSpec((C, 3 * C), lambda i, j: (0, 0)),
            pl.BlockSpec((1, 3 * C), lambda i, j: (0, 0)),
            pl.BlockSpec((ATTR, AH), lambda i, j: (0, 0)),
            pl.BlockSpec((1, AH), lambda i, j: (0, 0)),
            pl.BlockSpec((ATTR, AH), lambda i, j: (0, 0)),
            pl.BlockSpec((1, AH), lambda i, j: (0, 0)),
            pl.BlockSpec((C, E), lambda i, j: (0, 0)),
            pl.BlockSpec((AH, E), lambda i, j: (0, 0)),
            pl.BlockSpec((1, E), lambda i, j: (0, 0)),
            pl.BlockSpec((RCH, RCH), lambda i, j: (0, 0)),
        ],
        out_specs=[
            pl.BlockSpec(blk, lambda i, j: (0, i, 0, j, 0)),
            pl.BlockSpec((1, WZ, H, WW, AH), lambda i, j: (0, i, 0, j, 0)),
            pl.BlockSpec((N, 1), lambda i, j: (0, 0)),
            pl.BlockSpec((N, 1), lambda i, j: (0, 0)),
            pl.BlockSpec((1, 1), lambda i, j: (0, 0)),
            pl.BlockSpec((1, 1), lambda i, j: (0, 0)),
        ],
        out_shape=[
            jax.ShapeDtypeStruct((B, Z, H, W, C), jnp.float32),
            jax.ShapeDtypeStruct((B, Z, H, W, AH), jnp.float32),
            jax.ShapeDtypeStruct((N, 1), jnp.int32),
            jax.ShapeDtypeStruct((N, 1), jnp.float32),
            jax.ShapeDtypeStruct((1, 1), jnp.float32),
            jax.ShapeDtypeStruct((1, 1), jnp.float32),
        ],
        scratch_shapes=[pltpu.VMEM((Z, H, W, E), jnp.float32)],
    )(x, attr, n1_g.reshape(1, C), n1_b.reshape(1, C), w_qkv,
      b_qkv.reshape(1, 3 * C), wa1, ba1.reshape(1, AH), wa2,
      ba2.reshape(1, AH), wr1c, wr1a, br1.reshape(1, E), _tril())


def _route_math(lg, tril, dst_ref, scale_ref, zl_ref, bl_ref):
    m = jnp.max(lg, -1, keepdims=True)
    ex = jnp.exp(lg - m)
    se = jnp.sum(ex, -1, keepdims=True)
    probs = ex / se
    lse = jnp.log(se) + m
    zl_ref[...] = jnp.sum(lse * lse, 0, keepdims=True) * (1.0 / N)
    p = jnp.max(probs, -1, keepdims=True)
    lanes = lax.broadcasted_iota(jnp.int32, (N, E), 1)
    eidx = jnp.min(jnp.where(probs >= p, lanes, E), -1, keepdims=True)
    oh = (lanes == eidx).astype(jnp.float32)
    bl_ref[...] = (float(E) / (float(N) * float(N))) * jnp.sum(
        jnp.sum(oh, 0, keepdims=True) * jnp.sum(probs, 0, keepdims=True),
        1, keepdims=True)
    scale_ref[...] = p
    off = jnp.zeros((1, E), jnp.float32)
    for cidx in range(NRCH):
        rows = slice(cidx * RCH, (cidx + 1) * RCH)
        ohc = oh[rows]
        cum = jnp.dot(tril, ohc, preferred_element_type=jnp.float32) + off
        pos = jnp.sum(cum * ohc, -1, keepdims=True) - 1.0
        keep = pos < float(CAP)
        posi = pos.astype(jnp.int32)
        ec = eidx[rows]
        dst = jnp.where(keep, ec * CAP + posi, NSLOT + cidx)
        dst_ref[rows, :] = dst
        off = cum[RCH - 1:RCH, :]


_TRIL = None


def _tril():
    global _TRIL
    if _TRIL is None:
        _TRIL = jnp.tril(jnp.ones((RCH, RCH), jnp.float32))
    return _TRIL


_SC_MESH = None


def _sc_mesh():
    global _SC_MESH
    if _SC_MESH is None:
        _SC_MESH = plsc.VectorSubcoreMesh(core_axis_name="c", subcore_axis_name="s")
    return _SC_MESH


@functools.partial(jax.jit)
def _sc_scatter(tok, dst2d):
    @functools.partial(
        pl.kernel,
        out_type=jax.ShapeDtypeStruct((BUF_ROWS, C), jnp.float32),
        mesh=_sc_mesh(),
        scratch_types=[
            pltpu.VMEM((2, 128), jnp.int32),
            pltpu.VMEM((128, C), jnp.float32),
            pltpu.SemaphoreType.DMA,
        ],
    )
    def scatter_k(tok_hbm, dst_hbm, buf_hbm, idx_v, rows_v, sem):
        wid = lax.axis_index("s") * 2 + lax.axis_index("c")
        base = wid * CHUNK
        pltpu.sync_copy(dst_hbm.at[pl.ds(wid * 2, 2)], idx_v)
        for j in range(2):
            pltpu.sync_copy(tok_hbm.at[pl.ds(base + j * 128, 128)], rows_v)
            pltpu.async_copy(rows_v, buf_hbm.at[idx_v.at[j]], sem).wait()

    return scatter_k(tok, dst2d)


@functools.partial(jax.jit)
def _sc_gather(buf, dst2d):
    @functools.partial(
        pl.kernel,
        out_type=jax.ShapeDtypeStruct((N, C), jnp.float32),
        mesh=_sc_mesh(),
        scratch_types=[
            pltpu.VMEM((2, 128), jnp.int32),
            pltpu.VMEM((128, C), jnp.float32),
            pltpu.SemaphoreType.DMA,
        ],
    )
    def gather_k(buf_hbm, dst_hbm, out_hbm, idx_v, rows_v, sem):
        wid = lax.axis_index("s") * 2 + lax.axis_index("c")
        base = wid * CHUNK
        pltpu.sync_copy(dst_hbm.at[pl.ds(wid * 2, 2)], idx_v)
        for j in range(2):
            pltpu.async_copy(buf_hbm.at[idx_v.at[j]], rows_v, sem).wait()
            pltpu.sync_copy(rows_v, out_hbm.at[pl.ds(base + j * 128, 128)])

    return gather_k(buf, dst2d)


def _exp1_body(buf_ref, wp_ref, bp_ref, ob_ref):
    e = pl.program_id(0)
    ob_ref[...] = (jnp.dot(buf_ref[...], wp_ref[0],
                           preferred_element_type=jnp.float32)
                   + bp_ref[pl.ds(e, 1), :])


def _expert_proj(buf, wp, bp):
    return pl.pallas_call(
        _exp1_body,
        grid=(E,),
        in_specs=[
            pl.BlockSpec((CAP, C), lambda e: (e, 0)),
            pl.BlockSpec((1, C, C), lambda e: (e, 0, 0)),
            pl.BlockSpec((E, C), lambda e: (0, 0)),
        ],
        out_specs=pl.BlockSpec((CAP, C), lambda e: (e, 0)),
        out_shape=jax.ShapeDtypeStruct((BUF_ROWS, C), jnp.float32),
    )(buf, wp, bp)


def _exp2_body(buf_ref, w1_ref, b1_ref, w2_ref, b2_ref, ob_ref):
    e = pl.program_id(0)
    h = jax.nn.gelu(jnp.dot(buf_ref[...], w1_ref[0],
                            preferred_element_type=jnp.float32)
                    + b1_ref[pl.ds(e, 1), :])
    ob_ref[...] = (jnp.dot(h, w2_ref[0], preferred_element_type=jnp.float32)
                   + b2_ref[pl.ds(e, 1), :])


def _expert_mlp(buf, w1, b1, w2, b2):
    return pl.pallas_call(
        _exp2_body,
        grid=(E,),
        in_specs=[
            pl.BlockSpec((CAP, C), lambda e: (e, 0)),
            pl.BlockSpec((1, C, HID), lambda e: (e, 0, 0)),
            pl.BlockSpec((E, HID), lambda e: (0, 0)),
            pl.BlockSpec((1, HID, C), lambda e: (e, 0, 0)),
            pl.BlockSpec((E, C), lambda e: (0, 0)),
        ],
        out_specs=pl.BlockSpec((CAP, C), lambda e: (e, 0)),
        out_shape=jax.ShapeDtypeStruct((BUF_ROWS, C), jnp.float32),
    )(buf, w1, b1, w2, b2)


def _mid_body(x_ref, g1_ref, dst_ref, scale_ref, a2_ref, n2g_ref, n2b_ref,
              wr2c_ref, wr2a_ref, br2_ref, tril_ref, x1_ref, xm_ref,
              dst2_ref, scale2_ref, zl_ref, bl_ref, lgacc_ref):
    kept = dst_ref[...] < NSLOT
    y1 = jnp.where(kept, g1_ref[...] * scale_ref[...], 0.0)
    x1 = x_ref[...] + y1
    x1_ref[...] = x1
    ones_c8 = jnp.full((C, 8), 1.0 / C, jnp.float32)
    ones_8c = jnp.full((8, C), 1.0 / 8.0, jnp.float32)
    m8 = jnp.dot(x1, ones_c8, preferred_element_type=jnp.float32)
    e8 = jnp.dot(x1 * x1, ones_c8, preferred_element_type=jnp.float32)
    r8 = lax.rsqrt(e8 - m8 * m8 + 1e-5)
    mr = jnp.dot(m8, ones_8c, preferred_element_type=jnp.float32)
    rr = jnp.dot(r8, ones_8c, preferred_element_type=jnp.float32)
    xm = (x1 - mr) * rr * n2g_ref[...] + n2b_ref[...]
    xm_ref[...] = xm
    lg2 = (jnp.dot(xm, wr2c_ref[...], preferred_element_type=jnp.float32)
           + jnp.dot(a2_ref[...], wr2a_ref[...], preferred_element_type=jnp.float32)
           + br2_ref[...])
    i = pl.program_id(0)
    lgacc_ref[pl.ds(i * TB, TB), :] = lg2

    @pl.when(i == N // TB - 1)
    def _():
        _route_math(lgacc_ref[...], tril_ref[...], dst2_ref, scale2_ref,
                    zl_ref, bl_ref)


def _mid(xf, g1, dst1, scale1, a2, n2_g, n2_b, wr2, br2):
    wr2c, wr2a = wr2[:C], wr2[C:]
    return pl.pallas_call(
        _mid_body,
        grid=(N // TB,),
        in_specs=[
            pl.BlockSpec((TB, C), lambda i: (i, 0)),
            pl.BlockSpec((TB, C), lambda i: (i, 0)),
            pl.BlockSpec((TB, 1), lambda i: (i, 0)),
            pl.BlockSpec((TB, 1), lambda i: (i, 0)),
            pl.BlockSpec((TB, AH), lambda i: (i, 0)),
            pl.BlockSpec((1, C), lambda i: (0, 0)),
            pl.BlockSpec((1, C), lambda i: (0, 0)),
            pl.BlockSpec((C, E), lambda i: (0, 0)),
            pl.BlockSpec((AH, E), lambda i: (0, 0)),
            pl.BlockSpec((1, E), lambda i: (0, 0)),
            pl.BlockSpec((RCH, RCH), lambda i: (0, 0)),
        ],
        out_specs=[
            pl.BlockSpec((TB, C), lambda i: (i, 0)),
            pl.BlockSpec((TB, C), lambda i: (i, 0)),
            pl.BlockSpec((N, 1), lambda i: (0, 0)),
            pl.BlockSpec((N, 1), lambda i: (0, 0)),
            pl.BlockSpec((1, 1), lambda i: (0, 0)),
            pl.BlockSpec((1, 1), lambda i: (0, 0)),
        ],
        out_shape=[
            jax.ShapeDtypeStruct((N, C), jnp.float32),
            jax.ShapeDtypeStruct((N, C), jnp.float32),
            jax.ShapeDtypeStruct((N, 1), jnp.int32),
            jax.ShapeDtypeStruct((N, 1), jnp.float32),
            jax.ShapeDtypeStruct((1, 1), jnp.float32),
            jax.ShapeDtypeStruct((1, 1), jnp.float32),
        ],
        scratch_shapes=[pltpu.VMEM((N, E), jnp.float32)],
    )(xf, g1, dst1, scale1, a2, n2_g.reshape(1, C), n2_b.reshape(1, C),
      wr2c, wr2a, br2.reshape(1, E), _tril())


def _final_body(x1_ref, g2_ref, dst_ref, scale_ref, out_ref):
    kept = dst_ref[...] < NSLOT
    out_ref[...] = x1_ref[...] + jnp.where(kept, g2_ref[...] * scale_ref[...], 0.0)


def _final(x1, g2, dst2, scale2):
    return pl.pallas_call(
        _final_body,
        grid=(N // TB,),
        in_specs=[
            pl.BlockSpec((TB, C), lambda i: (i, 0)),
            pl.BlockSpec((TB, C), lambda i: (i, 0)),
            pl.BlockSpec((TB, 1), lambda i: (i, 0)),
            pl.BlockSpec((TB, 1), lambda i: (i, 0)),
        ],
        out_specs=pl.BlockSpec((TB, C), lambda i: (i, 0)),
        out_shape=jax.ShapeDtypeStruct((N, C), jnp.float32),
    )(x1, g2, dst2, scale2)


def kernel(x, attr, n1_g, n1_b, w_qkv, b_qkv, wa1, ba1, wr1, br1, wp, bp,
           n2_g, n2_b, wa2, ba2, wr2, br2, w1, b1, w2, b2):
    xf = x.reshape(N, C)

    o, a2_5d, dst1, scale1, z1, bl1 = _window_attention(
        x, attr, n1_g, n1_b, w_qkv, b_qkv, wa1, ba1, wa2, ba2, wr1, br1)
    ot = o.reshape(N, C)
    a2 = a2_5d.reshape(N, AH)

    buf1 = _sc_scatter(ot, dst1.reshape(N // 128, 128))
    ob1 = _expert_proj(buf1, wp, bp)
    g1 = _sc_gather(ob1, dst1.reshape(N // 128, 128))

    x1, xm, dst2, scale2, z2, bl2 = _mid(xf, g1, dst1, scale1, a2,
                                         n2_g, n2_b, wr2, br2)

    buf2 = _sc_scatter(xm, dst2.reshape(N // 128, 128))
    ob2 = _expert_mlp(buf2, w1, b1, w2, b2)
    g2 = _sc_gather(ob2, dst2.reshape(N // 128, 128))

    out = _final(x1, g2, dst2, scale2).reshape(B, Z, H, W, C)
    zs = jnp.stack([z1[0, 0], z2[0, 0]])
    bls = jnp.stack([bl1[0, 0], bl2[0, 0]])
    return (out, zs, bls)

# --- scband reference (transcript-rebuilt; emitter-appended) ---
"""Pipeline reference for scband-windowattn-block-withmoe-80900003988079 (READ-ONLY COPY).

The authoritative reference and input builder live on the scoring server;
editing this copy changes nothing except your own understanding.
"""

import jax, jax.numpy as jnp
import numpy as np

B, Z, H, W, C = 1, 4, 32, 64, 256
WZ, WH, WW = 2, 8, 8
NH = 8
E = 64
ATTR = 96
AH = 128
HID = 1024
N = B * Z * H * W
CAP = int(1.25 * N / E)


def ln(x, g, b):
    m = jnp.mean(x, -1, keepdims=True)
    v = jnp.var(x, -1, keepdims=True)
    return (x - m) / jnp.sqrt(v + 1e-5) * g + b


def moe(xt, rin, rW, rb, expert_fn):
    # Switch-style top-1 routing with fixed capacity, token dropping, prob scaling
    logits = rin @ rW + rb
    z_loss = jnp.mean(jax.nn.logsumexp(logits, axis=-1) ** 2)
    probs = jax.nn.softmax(logits, axis=-1)
    eidx = jnp.argmax(probs, axis=-1)
    p = jnp.max(probs, axis=-1)
    oh = jax.nn.one_hot(eidx, E, dtype=xt.dtype)
    bal_loss = E * jnp.sum(jnp.mean(oh, axis=0) * jnp.mean(probs, axis=0))
    pos = (jnp.cumsum(oh, axis=0) * oh).sum(-1).astype(jnp.int32) - 1
    keep = (pos < CAP).astype(xt.dtype)
    posc = jnp.clip(pos, 0, CAP - 1)
    buf = jnp.zeros((E, CAP, xt.shape[-1]), xt.dtype).at[eidx, posc].add(xt * keep[:, None])
    ob = expert_fn(buf)
    y = ob[eidx, posc] * keep[:, None] * p[:, None]
    return y, z_loss, bal_loss


def setup_inputs(seed=0):
    key = jax.random.key(seed)
    ks = jax.random.split(key, 16)
    s = 0.02
    d = {}
    d['x'] = jax.random.normal(ks[0], (B, Z, H, W, C), jnp.float32)
    d['attr'] = jax.random.normal(ks[1], (B, Z, H, W, ATTR), jnp.float32)
    d['n1_g'] = jnp.ones((C,), jnp.float32)
    d['n1_b'] = jnp.zeros((C,), jnp.float32)
    d['w_qkv'] = jax.random.normal(ks[2], (C, 3 * C), jnp.float32) * s
    d['b_qkv'] = jnp.zeros((3 * C,), jnp.float32)
    d['wa1'] = jax.random.normal(ks[3], (ATTR, AH), jnp.float32) * s
    d['ba1'] = jnp.zeros((AH,), jnp.float32)
    d['wr1'] = jax.random.normal(ks[4], (C + AH, E), jnp.float32) * s
    d['br1'] = jnp.zeros((E,), jnp.float32)
    d['wp'] = jax.random.normal(ks[5], (E, C, C), jnp.float32) * s
    d['bp'] = jnp.zeros((E, C), jnp.float32)
    d['n2_g'] = jnp.ones((C,), jnp.float32)
    d['n2_b'] = jnp.zeros((C,), jnp.float32)
    d['wa2'] = jax.random.normal(ks[6], (ATTR, AH), jnp.float32) * s
    d['ba2'] = jnp.zeros((AH,), jnp.float32)
    d['wr2'] = jax.random.normal(ks[7], (C + AH, E), jnp.float32) * s
    d['br2'] = jnp.zeros((E,), jnp.float32)
    d['w1'] = jax.random.normal(ks[8], (E, C, HID), jnp.float32) * s
    d['b1'] = jnp.zeros((E, HID), jnp.float32)
    d['w2'] = jax.random.normal(ks[9], (E, HID, C), jnp.float32) * s
    d['b2'] = jnp.zeros((E, C), jnp.float32)
    return d


def _forward(x, attr, n1_g, n1_b, w_qkv, b_qkv, wa1, ba1, wr1, br1, wp, bp,
             n2_g, n2_b, wa2, ba2, wr2, br2, w1, b1, w2, b2):
    af = attr.reshape(N, ATTR)
    sc = x
    xn = ln(x, n1_g, n1_b)
    # window partition (shift=0, dilation=1)
    xw = xn.reshape(B, Z // WZ, WZ, H // WH, WH, W // WW, WW, C)
    xw = xw.transpose(0, 1, 3, 5, 2, 4, 6, 7).reshape(-1, WZ * WH * WW, C)
    nW, ws, _ = xw.shape
    qkv = xw @ w_qkv + b_qkv
    q, k, v = jnp.split(qkv, 3, axis=-1)
    hd = C // NH
    def hs(t):
        return t.reshape(nW, ws, NH, hd).transpose(0, 2, 1, 3)
    q = hs(q) * (hd ** -0.5)
    k = hs(k)
    v = hs(v)
    att = jax.nn.softmax(q @ jnp.swapaxes(k, -1, -2), axis=-1)
    o = (att @ v).transpose(0, 2, 1, 3).reshape(nW, ws, C)
    o = o.reshape(B, Z // WZ, H // WH, W // WW, WZ, WH, WW, C)
    o = o.transpose(0, 1, 4, 2, 5, 3, 6, 7).reshape(B, Z, H, W, C)
    ot = o.reshape(N, C)
    # MoE output projection for attention, routed by (token, attr) features
    a1 = jax.nn.gelu(af @ wa1 + ba1)
    y1, z1, bl1 = moe(ot, jnp.concatenate([ot, a1], axis=-1), wr1, br1,
                      lambda bu: jnp.einsum('ecd,edf->ecf', bu, wp) + bp[:, None, :])
    x1 = sc + y1.reshape(B, Z, H, W, C)
    # MoE MLP
    xm = ln(x1, n2_g, n2_b).reshape(N, C)
    a2 = jax.nn.gelu(af @ wa2 + ba2)
    def mlp_e(bu):
        h = jax.nn.gelu(jnp.einsum('ecd,edh->ech', bu, w1) + b1[:, None, :])
        return jnp.einsum('ech,ehd->ecd', h, w2) + b2[:, None, :]
    y2, z2, bl2 = moe(xm, jnp.concatenate([xm, a2], axis=-1), wr2, br2, mlp_e)
    out = x1 + y2.reshape(B, Z, H, W, C)
    return out, z1, z2, bl1, bl2


def reference(x, attr, n1_g, n1_b, w_qkv, b_qkv, wa1, ba1, wr1, br1, wp, bp,
              n2_g, n2_b, wa2, ba2, wr2, br2, w1, b1, w2, b2):
    out, z1, z2, bl1, bl2 = _forward(x, attr, n1_g, n1_b, w_qkv, b_qkv, wa1, ba1,
                                     wr1, br1, wp, bp, n2_g, n2_b, wa2, ba2,
                                     wr2, br2, w1, b1, w2, b2)
    return (out, jnp.stack([z1, z2]), jnp.stack([bl1, bl2]))

if __name__ == "__main__":
    import jax
    _d = setup_inputs()
    print(jax.jit(kernel)(*tuple(_d.values())))

</pallas_src>

<mosaic_0001>
#map = affine_map<(d0, d1) -> (0, 0)>
module attributes {stable_mosaic.version = 14 : i64} {
  func.func @scatter_k(%arg0: i32, %arg1: i32, %arg2: memref<8192x256xf32, #tpu.memory_space<hbm>>, %arg3: memref<64x128xi32, #tpu.memory_space<hbm>>, %arg4: memref<10272x256xf32, #tpu.memory_space<hbm>>, %arg5: memref<2x128xi32, #tpu.memory_space<vmem>>, %arg6: memref<128x256xf32, #tpu.memory_space<vmem>>, %arg7: memref<!tpu.dma_semaphore, #tpu.memory_space<semaphore_mem>>) attributes {dimension_semantics = [#tpu.dimension_semantics<core_parallel>, #tpu.dimension_semantics<subcore_parallel>], iteration_bounds = array<i64: 2, 16>, scalar_prefetch = 0 : i64, scratch_operands = 3 : i64, tpu.core_type = #tpu.core_type<sc_vector_subcore>, window_params = [{transform_indices = #map}, {transform_indices = #map}, {transform_indices = #map}]} {
    %mul3A = arith.constant 2 : i32
    %mul3A_0 = arith.muli %arg1, %mul3A : i32
    %add3A = arith.addi %mul3A_0, %arg0 : i32
    %mul3A_1 = arith.constant 256 : i32
    %mul3A_2 = arith.muli %add3A, %mul3A_1 : i32
    %mul3A_3 = arith.constant 2 : i32
    %mul3A_4 = arith.muli %add3A, %mul3A_3 : i32
    "tpu.region"() ({
      %run_scoped3A = tpu.sem_alloc : memref<!tpu.dma_semaphore, #tpu.memory_space<semaphore_mem>>
      %dma_start3A_35 = arith.constant 0 : i32
      %dma_start3A_36 = tpu.memref_slice %arg3[%mul3A_4, %dma_start3A_35] : memref<64x128xi32, #tpu.memory_space<hbm>> -> memref<2x128xi32, #tpu.memory_space<hbm>>
      %dma_start3A_37 = arith.constant 0 : i32
      %dma_start3A_38 = tpu.memref_slice %arg3[%mul3A_4, %dma_start3A_37] : memref<64x128xi32, #tpu.memory_space<hbm>> -> memref<2x128xi32, #tpu.memory_space<hbm>>
      tpu.enqueue_dma source(%dma_start3A_38 : memref<2x128xi32, #tpu.memory_space<hbm>>) target(%arg5 : memref<2x128xi32, #tpu.memory_space<vmem>>) target_semaphore(%run_scoped3A : memref<!tpu.dma_semaphore, #tpu.memory_space<semaphore_mem>>)
      %dma_wait3A_39 = arith.constant 0 : i32
      %dma_wait3A_40 = tpu.memref_slice %arg3[%mul3A_4, %dma_wait3A_39] : memref<64x128xi32, #tpu.memory_space<hbm>> -> memref<2x128xi32, #tpu.memory_space<hbm>>
      %dma_wait3A_41 = arith.constant 0 : i32
      %dma_wait3A_42 = tpu.memref_slice %arg3[%mul3A_4, %dma_wait3A_41] : memref<64x128xi32, #tpu.memory_space<hbm>> -> memref<2x128xi32, #tpu.memory_space<hbm>>
      tpu.wait_dma2 semaphore(%run_scoped3A : memref<!tpu.dma_semaphore, #tpu.memory_space<semaphore_mem>>) src(%dma_wait3A_42 : memref<2x128xi32, #tpu.memory_space<hbm>>) dst(%arg5 : memref<2x128xi32, #tpu.memory_space<vmem>>)
      tpu.yield
    }) : () -> ()
    %add3A_5 = arith.constant 0 : i32
    %add3A_6 = arith.addi %mul3A_2, %add3A_5 : i32
    "tpu.region"() ({
      %run_scoped3A = tpu.sem_alloc : memref<!tpu.dma_semaphore, #tpu.memory_space<semaphore_mem>>
      %dma_start3A_35 = arith.constant 0 : i32
      %dma_start3A_36 = tpu.memref_slice %arg2[%add3A_6, %dma_start3A_35] : memref<8192x256xf32, #tpu.memory_space<hbm>> -> memref<128x256xf32, #tpu.memory_space<hbm>>
      %dma_start3A_37 = arith.constant 0 : i32
      %dma_start3A_38 = tpu.memref_slice %arg2[%add3A_6, %dma_start3A_37] : memref<8192x256xf32, #tpu.memory_space<hbm>> -> memref<128x256xf32, #tpu.memory_space<hbm>>
      tpu.enqueue_dma source(%dma_start3A_38 : memref<128x256xf32, #tpu.memory_space<hbm>>) target(%arg6 : memref<128x256xf32, #tpu.memory_space<vmem>>) target_semaphore(%run_scoped3A : memref<!tpu.dma_semaphore, #tpu.memory_space<semaphore_mem>>)
      %dma_wait3A_39 = arith.constant 0 : i32
      %dma_wait3A_40 = tpu.memref_slice %arg2[%add3A_6, %dma_wait3A_39] : memref<8192x256xf32, #tpu.memory_space<hbm>> -> memref<128x256xf32, #tpu.memory_space<hbm>>
      %dma_wait3A_41 = arith.constant 0 : i32
      %dma_wait3A_42 = tpu.memref_slice %arg2[%add3A_6, %dma_wait3A_41] : memref<8192x256xf32, #tpu.memory_space<hbm>> -> memref<128x256xf32, #tpu.memory_space<hbm>>
      tpu.wait_dma2 semaphore(%run_scoped3A : memref<!tpu.dma_semaphore, #tpu.memory_space<semaphore_mem>>) src(%dma_wait3A_42 : memref<128x256xf32, #tpu.memory_space<hbm>>) dst(%arg6 : memref<128x256xf32, #tpu.memory_space<vmem>>)
      tpu.yield
    }) : () -> ()
    %dma_start3A = arith.constant 0 : i32
    %dma_start3A_7 = arith.constant 0 : i32
    %dma_start3A_8 = tpu.memref_slice %arg5[%dma_start3A, %dma_start3A_7] : memref<2x128xi32, #tpu.memory_space<vmem>> -> memref<1x128xi32, #tpu.memory_space<vmem>>
    %dma_start3A_9 = tpu.memref_squeeze %dma_start3A_8 : memref<1x128xi32, #tpu.memory_space<vmem>> -> memref<128xi32, #tpu.memory_space<vmem>>
    %dma_start3A_10 = arith.constant 0 : i32
    %dma_start3A_11 = arith.constant 0 : i32
    %dma_start3A_12 = tpu.memref_slice %arg4[%dma_start3A_10, %dma_start3A_11] : memref<10272x256xf32, #tpu.memory_space<hbm>> -> memref<10272x256xf32, #tpu.memory_space<hbm>>
    tpu.enqueue_indirect_dma source(%arg6 : memref<128x256xf32, #tpu.memory_space<vmem>>) target(%dma_start3A_12 : memref<10272x256xf32, #tpu.memory_space<hbm>>) offsets(%dma_start3A_9 : memref<128xi32, #tpu.memory_space<vmem>>) semaphore(%arg7 : memref<!tpu.dma_semaphore, #tpu.memory_space<semaphore_mem>>)
    %dma_wait3A = arith.constant 0 : i32
    %dma_wait3A_13 = arith.constant 0 : i32
    %dma_wait3A_14 = tpu.memref_slice %arg5[%dma_wait3A, %dma_wait3A_13] : memref<2x128xi32, #tpu.memory_space<vmem>> -> memref<1x128xi32, #tpu.memory_space<vmem>>
    %dma_wait3A_15 = tpu.memref_squeeze %dma_wait3A_14 : memref<1x128xi32, #tpu.memory_space<vmem>> -> memref<128xi32, #tpu.memory_space<vmem>>
    %dma_wait3A_16 = arith.constant 0 : i32
    %dma_wait3A_17 = arith.constant 0 : i32
    %dma_wait3A_18 = tpu.memref_slice %arg4[%dma_wait3A_16, %dma_wait3A_17] : memref<10272x256xf32, #tpu.memory_space<hbm>> -> memref<10272x256xf32, #tpu.memory_space<hbm>>
    tpu.wait_indirect_dma semaphore(%arg7 : memref<!tpu.dma_semaphore, #tpu.memory_space<semaphore_mem>>) src(%arg6 : memref<128x256xf32, #tpu.memory_space<vmem>>) dst(%dma_wait3A_18 : memref<10272x256xf32, #tpu.memory_space<hbm>>)
    %add3A_19 = arith.constant 128 : i32
    %add3A_20 = arith.addi %mul3A_2, %add3A_19 : i32
    "tpu.region"() ({
      %run_scoped3A = tpu.sem_alloc : memref<!tpu.dma_semaphore, #tpu.memory_space<semaphore_mem>>
      %dma_start3A_35 = arith.constant 0 : i32
      %dma_start3A_36 = tpu.memref_slice %arg2[%add3A_20, %dma_start3A_35] : memref<8192x256xf32, #tpu.memory_space<hbm>> -> memref<128x256xf32, #tpu.memory_space<hbm>>
      %dma_start3A_37 = arith.constant 0 : i32
      %dma_start3A_38 = tpu.memref_slice %arg2[%add3A_20, %dma_start3A_37] : memref<8192x256xf32, #tpu.memory_space<hbm>> -> memref<128x256xf32, #tpu.memory_space<hbm>>
      tpu.enqueue_dma source(%dma_start3A_38 : memref<128x256xf32, #tpu.memory_space<hbm>>) target(%arg6 : memref<128x256xf32, #tpu.memory_space<vmem>>) target_semaphore(%run_scoped3A : memref<!tpu.dma_semaphore, #tpu.memory_space<semaphore_mem>>)
      %dma_wait3A_39 = arith.constant 0 : i32
      %dma_wait3A_40 = tpu.memref_slice %arg2[%add3A_20, %dma_wait3A_39] : memref<8192x256xf32, #tpu.memory_space<hbm>> -> memref<128x256xf32, #tpu.memory_space<hbm>>
      %dma_wait3A_41 = arith.constant 0 : i32
      %dma_wait3A_42 = tpu.memref_slice %arg2[%add3A_20, %dma_wait3A_41] : memref<8192x256xf32, #tpu.memory_space<hbm>> -> memref<128x256xf32, #tpu.memory_space<hbm>>
      tpu.wait_dma2 semaphore(%run_scoped3A : memref<!tpu.dma_semaphore, #tpu.memory_space<semaphore_mem>>) src(%dma_wait3A_42 : memref<128x256xf32, #tpu.memory_space<hbm>>) dst(%arg6 : memref<128x256xf32, #tpu.memory_space<vmem>>)
      tpu.yield
    }) : () -> ()
    %dma_start3A_21 = arith.constant 1 : i32
    %dma_start3A_22 = arith.constant 0 : i32
    %dma_start3A_23 = tpu.memref_slice %arg5[%dma_start3A_21, %dma_start3A_22] : memref<2x128xi32, #tpu.memory_space<vmem>> -> memref<1x128xi32, #tpu.memory_space<vmem>>
    %dma_start3A_24 = tpu.memref_squeeze %dma_start3A_23 : memref<1x128xi32, #tpu.memory_space<vmem>> -> memref<128xi32, #tpu.memory_space<vmem>>
    %dma_start3A_25 = arith.constant 0 : i32
    %dma_start3A_26 = arith.constant 0 : i32
    %dma_start3A_27 = tpu.memref_slice %arg4[%dma_start3A_25, %dma_start3A_26] : memref<10272x256xf32, #tpu.memory_space<hbm>> -> memref<10272x256xf32, #tpu.memory_space<hbm>>
    tpu.enqueue_indirect_dma source(%arg6 : memref<128x256xf32, #tpu.memory_space<vmem>>) target(%dma_start3A_27 : memref<10272x256xf32, #tpu.memory_space<hbm>>) offsets(%dma_start3A_24 : memref<128xi32, #tpu.memory_space<vmem>>) semaphore(%arg7 : memref<!tpu.dma_semaphore, #tpu.memory_space<semaphore_mem>>)
    %dma_wait3A_28 = arith.constant 1 : i32
    %dma_wait3A_29 = arith.constant 0 : i32
    %dma_wait3A_30 = tpu.memref_slice %arg5[%dma_wait3A_28, %dma_wait3A_29] : memref<2x128xi32, #tpu.memory_space<vmem>> -> memref<1x128xi32, #tpu.memory_space<vmem>>
    %dma_wait3A_31 = tpu.memref_squeeze %dma_wait3A_30 : memref<1x128xi32, #tpu.memory_space<vmem>> -> memref<128xi32, #tpu.memory_space<vmem>>
    %dma_wait3A_32 = arith.constant 0 : i32
    %dma_wait3A_33 = arith.constant 0 : i32
    %dma_wait3A_34 = tpu.memref_slice %arg4[%dma_wait3A_32, %dma_wait3A_33] : memref<10272x256xf32, #tpu.memory_space<hbm>> -> memref<10272x256xf32, #tpu.memory_space<hbm>>
    tpu.wait_indirect_dma semaphore(%arg7 : memref<!tpu.dma_semaphore, #tpu.memory_space<semaphore_mem>>) src(%arg6 : memref<128x256xf32, #tpu.memory_space<vmem>>) dst(%dma_wait3A_34 : memref<10272x256xf32, #tpu.memory_space<hbm>>)
    return
  }
}

</mosaic_0001>

<sc_bundles>
// kernel: _sc_scatter.3.cloned.1.call-start
scs
__scs_entry_jumppad:
0x0: {  	(pc) =	sbr.rel $0x88, $3  }
0x1: {  	(tag) =	ssettag $0x0;
	lr =	simm.s32 $0x1  }
0x2: {  	[smem:$0x3F9F] =	sst lr;
	_ =	strace $0xD0000000  }
0x3: {  	_ = 	snop  }
0x4: {  	_ = 	snop  }
0x5: {  	_ = 	snop  }
0x6: {  	_ = 	snop  }
0x7: {  	_ = 	snop  }
__scs_overlays_trampoline_lowered:
0x8: {  	[smem:$0x3FAE] =	sst s0  }
0x9: {  	[smem:$0x3FAF] =	sst s1  }
0xa: {  	[smem:$0x3FB0] =	sst s2  }
0xb: {  	[smem:$0x3FB1] =	sst s3  }
0xc: {  	[smem:$0x3FB2] =	sst s4  }
0xd: {  	[smem:$0x3FB3] =	sst s5  }
0xe: {  	[smem:$0x3FB4] =	sst s6  }
0xf: {  	[smem:$0x3FB5] =	sst s7  }
0x10: {  	[smem:$0x3FB6] =	sst s8  }
0x11: {  	[smem:$0x3FB7] =	sst s9;
	s0 =	simm.s32 @!p0 $0x0  }
0x12: {  	s1 =	sld [smem:$0x3F9D];
	s0 =	simm.s32 @p0 $0x1  }
0x13: {  	[smem:$0x3FB8] =	sst s0;
	s0 =	simm.s32 @!p1 $0x0  }
0x14: {  	s2 =	sld [smem:$0x3F9C];
	s0 =	simm.s32 @p1 $0x1  }
0x15: {  	[smem:$0x3FB9] =	sst s0;
	s0 =	simm.s32 @!p2 $0x0  }
0x16: {  	s3 =	sld [smem:$0x3FDB];
	s0 =	simm.s32 @p2 $0x1  }
0x17: {  	s4 =	simm.s32 $0x1BF5;
	[smem:$0x3FBB] =	sst s0  }
0x18: {  	s0 =	sld [smem:$0x3F9E];
	_ =	swait.ge [sflag:s4], $0x0  }
0x19: {  	s7 =	sld [smem:$0x3F9F]  }
0x1a: {  	s8 =	sadd.s32 $0xFFFFE003, lr  }
0x1b: {  	s9 =	sadd.s32 $0xFFFFFEF7, lr;
	s5 =	simm.s32 $0xFFFFFFFF;
	p2 =	slt.u32 s8, $0xFFFFF086  }
0x1c: {  	p1 =	slt.u32 s9, $0xF7A;
	s5 =	simm.s32 @!p2 $0x0  }
0x1d: {  	s5 =	simm.s32 @p1 $0x1;
	p0 =	seq.s32 s7, s2  }
0x1e: {  	s7 =	smul.u32 @!p0 $0xF7A, s2;
	p2 =	seq.s32 @!p0 s5, $0x0  }
0x1f: {  	s9 =	smul.u32 $0xF7A, s1;
	s8 =	simm.s32 @!p0 $0x1BF5;
	p2 =	por !p2, p0  }
0x20: {  	[sflag:s8] =	ssyncset.s32 @!p0 $0xFFFFF086;
	s6 =	sadd.s32 @!p0 s3, s7;
	s7 =	simm.s32 @!p0 $0x108  }
0x21: {  	s3 =	sadd.s32 s3, s9;
	s6 =	sadd.s32 @!p0 $0x88, s6;
	s7 =	simm.s32 @p2 $0x1082  }
0x22: {  	[simem:s7], [sflag:s8] =	dma.local @!p0 [hbm:s6], $0xF7A  }
0x23: {  	s9 =	sor.u32 $0xD0000000, s2;
	s6 =	simm.s32 $0x108;
	_ =	swait.ge @!p0 [sflag:s8], $0x0  }
0x24: {  	s3 =	sadd.s32 $0x88, s3;
	s6 =	simm.s32 @!p1 $0x1082;
	[sflag:s4] =	ssyncset.s32 $0xFFFFF086  }
0x25: {  	[simem:s6], [sflag:s4] =	dma.local [hbm:s3], $0xF7A  }
0x26: {  	[smem:$0x3F9F] =	sst s1;
	(tag) =	ssettag s2;
	_ =	strace s9  }
0x27: {  	s1 =	sld [smem:$0x3FAF]  }
0x28: {  	s2 =	sld [smem:$0x3FB0]  }
0x29: {  	s4 =	sld [smem:$0x3FB2]  }
0x2a: {  	p0 =	seq.s32 s5, $0x0;
	s5 =	sld [smem:$0x3FB3]  }
0x2b: {  	s6 =	sld [smem:$0x3FB4]  }
0x2c: {  	s7 =	sld [smem:$0x3FB5]  }
0x2d: {  	s3 =	simm.s32 $0x108;
	s8 =	sld [smem:$0x3FB6]  }
0x2e: {  	s3 =	simm.s32 @!p0 $0x1082;
	s9 =	sld [smem:$0x3FB7]  }
0x2f: {  	lr =	sadd.s32 s0, s3;
	s0 =	sld [smem:$0x3FAE]  }
0x30: {  	s3 =	sld [smem:$0x3FB1]  }
0x31: {  	[smem:$0x3FBA] =	sst s10  }
0x32: {  	s10 =	sld [smem:$0x3FB8];
	_ =	sdelay $0x3  }
0x33: {  	p0 =	seq.s32 s10, $0x1;
	s10 =	sld [smem:$0x3FBA];
	_ =	sdelay $0x3  }
0x34: {  	[smem:$0x3FBA] =	sst s10  }
0x35: {  	s10 =	sld [smem:$0x3FB9];
	_ =	sdelay $0x3  }
0x36: {  	p1 =	seq.s32 s10, $0x1;
	s10 =	sld [smem:$0x3FBA];
	_ =	sdelay $0x3  }
0x37: {  	[smem:$0x3FBA] =	sst s10  }
0x38: {  	s10 =	sld [smem:$0x3FBB]  }
0x39: {  	_ = 	snop;
	(pc) =	sbr.ind lr, $3  }
0x3a: {  	_ = 	snop  }
0x3b: {  	_ = 	snop  }
0x3c: {  	p2 =	seq.s32 s10, $0x1;
	s10 =	sld [smem:$0x3FBA]  }
0x3d: {  	_ =	shalt  }
0x3e: {  	_ =	shalt  }
0x3f: {  	_ =	shalt  }
0x40: {  	_ =	shalt  }
0x41: {  	_ =	shalt  }
0x42: {  	_ =	shalt  }
0x43: {  	_ =	shalt  }
0x44: {  	_ =	shalt  }
0x45: {  	_ =	shalt  }
0x46: {  	_ =	shalt  }
0x47: {  	_ =	shalt  }
0x48: {  	_ =	shalt  }
0x49: {  	_ =	shalt  }
0x4a: {  	_ =	shalt  }
0x4b: {  	_ =	shalt  }
0x4c: {  	_ =	shalt  }
0x4d: {  	_ =	shalt  }
0x4e: {  	_ =	shalt  }
0x4f: {  	_ =	shalt  }
0x50: {  	_ =	shalt  }
0x51: {  	_ =	shalt  }
0x52: {  	_ =	shalt  }
0x53: {  	_ =	shalt  }
0x54: {  	_ =	shalt  }
0x55: {  	_ =	shalt  }
0x56: {  	_ =	shalt  }
0x57: {  	_ =	shalt  }
0x58: {  	_ =	shalt  }
0x59: {  	_ =	shalt  }
0x5a: {  	_ =	shalt  }
0x5b: {  	_ =	shalt  }
0x5c: {  	_ =	shalt  }
0x5d: {  	_ =	shalt  }
0x5e: {  	_ =	shalt  }
0x5f: {  	_ =	shalt  }
0x60: {  	_ =	shalt  }
0x61: {  	_ =	shalt  }
0x62: {  	_ =	shalt  }
0x63: {  	_ =	shalt  }
0x64: {  	_ =	shalt  }
0x65: {  	_ =	shalt  }
0x66: {  	_ =	shalt  }
0x67: {  	_ =	shalt  }
0x68: {  	_ =	shalt  }
0x69: {  	_ =	shalt  }
0x6a: {  	_ =	shalt  }
0x6b: {  	_ =	shalt  }
0x6c: {  	_ =	shalt  }
0x6d: {  	_ =	shalt  }
0x6e: {  	_ =	shalt  }
0x6f: {  	_ =	shalt  }
0x70: {  	_ =	shalt  }
0x71: {  	_ =	shalt  }
0x72: {  	_ =	shalt  }
0x73: {  	_ =	shalt  }
0x74: {  	_ =	shalt  }
0x75: {  	_ =	shalt  }
0x76: {  	_ =	shalt  }
0x77: {  	_ =	shalt  }
0x78: {  	_ =	shalt  }
0x79: {  	_ =	shalt  }
0x7a: {  	_ =	shalt  }
0x7b: {  	_ =	shalt  }
0x7c: {  	_ =	shalt  }
0x7d: {  	_ =	shalt  }
0x7e: {  	_ =	shalt  }
0x7f: {  	_ =	shalt  }
0x80: {  	_ =	shalt  }
0x81: {  	_ =	shalt  }
0x82: {  	_ =	shalt  }
0x83: {  	_ =	shalt  }
0x84: {  	_ =	shalt  }
0x85: {  	_ =	shalt  }
0x86: {  	_ =	shalt  }
0x87: {  	_ =	shalt  }
.Lfunc_end0:
.L_simem_size_0:
called_computation_lowered:
.L_overlay_start_0:
0x88: {  	s2 =	sld [smem:$0x3FD9]  }
0x89: {  	s3 =	sld [smem:$0x3FFE];
	_ =	sdelay $0x1  }
0x8a: {  	s1 =	srdreg.scid  }
0x8b: {  	s0 =	sand.u32 $0x1, s1  }
0x8c: {  	s18 =	sshll.u32 s0, $0xA;
	s2 =	sadd.s32 s3, s2  }
0x8d: {  	s2 =	sadd.s32 s2, s18  }
0x8e: {  	[smem:$0x3FC6] =	sst s2  }
0x8f: {  	_ = 	snop  }
0x90: {  	s2 =	sld [smem:$0x3FC9]  }
0x91: {  	s19 =	sld [smem:$0x3FC8]  }
0x92: {  	s4 =	sld [smem:$0x3FD0];
	(tm) =	ssettm $0x1  }
0x93: {  	s5 =	sld [smem:$0x3FFB];
	_ =	sdelay $0x3  }
0x94: {  	_ =	strace s5  }
0x95: {  	s5 =	sld [smem:$0x3FFC];
	_ =	sdelay $0x3  }
0x96: {  	_ =	strace s5  }
0x97: {  	s5 =	sld [smem:$0x3FFD];
	_ =	sdelay $0x3  }
0x98: {  	_ =	strace s5  }
0x99: {  	_ =	strace $0x8FFFFFFF  }
0x9a: {  	s20 =	sld [smem:$0x3FDB];
	_ =	sdelay $0x1  }
0x9b: {  	s6 =	simm.s32 $_scs_section_size  }
0x9c: {  	s7 =	simm.s32 $_size__tile_overlayer_lowered;
	s8 =	simm.s32 $_tile_overlayer_lowered  }
0x9d: {  	s23 =	simm.s32 $0x1BFF;
	s22 =	sshll.u32 s8, $0x1;
	s5 =	sadd.s32 s6, s20  }
0x9e: {  	s9 =	simm.s32 $0x0;
	s21 =	sshll.u32 s7, $0x1;
	s7 =	sadd.s32 s22, s5  }
0x9f: {  	[timem:s9], [sflag:s23] =	dma.local [hbm:s7], s21  }
0xa0: {  	_ =	swait.ge [sflag:s23], s21  }
0xa1: {  	s6 =	ssub.s32 $0x0, s21;
	[sflag:s23] =	ssyncset.done $0x0  }
0xa2: {  	[sflag:s23] =	ssyncadd.s32 s6;
	_ =	sdelay $0x1  }
0xa3: {  	s24 =	simm.s32 $0x1B8B  }
0xa4: {  	_ =	swait.ge [sflag:s24], $0x1  }
0xa5: {  	[sflag:s24] =	ssyncset.done $0x0  }
0xa6: {  	s25 =	simm.s32 $0x1B8E;
	[sflag:s24] =	ssyncadd.s32 $0xFFFFFFFF  }
0xa7: {  	s26 =	simm.s32 $execute0_lowered;
	[smem:$0x3FD2] =	sst s25  }
0xa8: {  	s6 =	sshll.u32 s26, $0x1;
	_ =	strace $0x80000046;
	[dreg:$0x1] =	wrdreg $0xFFFFFFFF  }
0xa9: {  	s28 =	simm.s32 $_size_execute0_lowered;
	s5 =	sadd.s32 s5, s6;
	[dreg:$0x0] =	wrdreg $0x0  }
0xaa: {  	s6 =	sshll.u32 s28, $0x1;
	[dreg:$0x2] =	wrdreg s5  }
0xab: {  	[dreg:$0x3] =	wrdreg s6  }
0xac: {  	[dreg:$0x4] =	wrdreg $0xC0  }
0xad: {  	_ =	task [dreg:s9], $0x5FFFF  }
0xae: {  	[dreg:$0x1] =	wrdreg $0xFFFFFFFF  }
0xaf: {  	[dreg:$0x0] =	wrdreg $0x60  }
0xb0: {  	[dreg:$0x2] =	wrdreg s2  }
0xb1: {  	[dreg:$0x3] =	wrdreg s19  }
0xb2: {  	[dreg:$0x4] =	wrdreg s4  }
0xb3: {  	[dreg:$0x5] =	wrdreg $0x9  }
0xb4: {  	_ =	task.clear_ibuf [dreg:s9], $0x6FFFF;
	_ =	strace $0x90000046  }
0xb5: {  	s29 =	simm.s32 $0x9;
	_ =	strace $0x80000048  }
0xb6: {  	_ =	swait.ge [sflag:s29], $0x1  }
0xb7: {  	[sflag:s29] =	ssyncadd.s32 $0xFFFFFFFF  }
0xb8: {  	_ =	strace $0x90000048  }
0xb9: {  	_ =	sfence  }
0xba: {  	s30 =	sld [smem:$0x0];
	_ =	sdelay $0x2  }
0xbb: {  	s31 =	sshll.u32 s1, $0xD;
	s1 =	sshrl.u32 s1, $0x2  }
0xbc: {  	s3 =	sand.u32 $0x4000, s31;
	s1 =	sadd.s32 s1, s30  }
0xbd: {  	s0 =	sor.u32 s3, s0;
	s1 =	sshll.u32 s1, $0x11  }
0xbe: {  	s0 =	sor.u32 s1, s0  }
0xbf: {  	s0 =	sadd.s32 $0x8F2B, s0  }
0xc0: {  	[sflag:s0] =	ssyncadd.remote.s32 $0x1  }
0xc1: {  	_ =	sfence.sel $0xFFFF  }
0xc2: {  	[dreg:$0x0] =	wrdreg $0xFFFFFFFF;
	(pc) =	sbr.abs _section_cstart, $3  }
0xc3: {  	[dreg:$0x1] =	wrdreg $0xFFFFFFFF  }
0xc4: {  	_ =	task.clear_ibuf [dreg:s9], $0x2FFFF;
	_ =	strace $0x9FFFFFFF  }
0xc5: {  	(tm) =	ssettm $0x7FFFFFFF  }
tec
execute0_lowered:
.L_overlay_start_1:
0x0: {  	(tag) =	ssettag $0x1  }
0x1: {  	s4 =	rddreg [dreg:$0x0]  }
0x2: {  	s5 =	rddreg [dreg:$0x1]  }
0x3: {  	s2 =	rddreg [dreg:$0x2]  }
0x4: {  	s0 =	rddreg [dreg:$0x3]  }
0x5: {  	s6 =	srdreg.scid;
	s1 =	stileid.u32  }
0x6: {  	s3 =	simm.s32 $0x0;
	s10 =	simm.s32 $0x900;
	s11 =	simm.s32 $0x1100  }
0x7: {  	s12 =	simm.s32 $0x1900;
	s13 =	simm.s32 $0x2100;
	s14 =	simm.s32 $0x2900  }
0x8: {  	s15 =	simm.s32 $0x3100;
	s16 =	simm.s32 $0x3900;
	s17 =	simm.s32 $0x4100  }
0x9: {  	s18 =	simm.s32 $0x4900;
	s19 =	simm.s32 $0x5100;
	s20 =	simm.s32 $0x5900  }
0xa: {  	s21 =	simm.s32 $0x6100;
	s22 =	simm.s32 $0x6900;
	s23 =	simm.s32 $0x7100  }
0xb: {  	s24 =	simm.s32 $0x7900;
	s25 =	simm.s32 $0x1;
	s6 =	sand.u32 $0x1, s6  }
0xc: {  	s7 =	sshll.u32 s1, $0x1;
	[smem:$0x7FF] =	sst s3;
	s8 =	ssub.s32 $0x2, s6  }
0xd: {  	s6 =	sor.u32 s6, s7;
	_ =	strace $0x80000047;
	s31 =	sshrl.u32 s8, $0x1  }
0xe: {  	v2 =	vlaneseq.u32;
	s9 =	sshll.u32 s6, $0xD;
	s6 =	sshll.u32 s6, $0x5;
	s7 =	ssub.s32 s8, s31  }
0xf: {  	vm0 =	vmmov $0xffff;
	v1 =	vshrl.u32 v2, $0x3;
	s4 =	sadd.s32 s4, s9;
	s5 =	sadd.s32 s5, s6;
	s8 =	simm.s32 $0x2  }
0x10: {  	v0 =	vand.u32 $0x7, v2;
	v2 =	vor.u32 $0x8, v2;
	v1 =	vmul.u32 $0x8, v1;
	s9 =	simm.s32 $0x100;
	s6 =	sadd.s32 $0x1000, s4;
	s7 =	smax.u32 s7, $0x1  }
.LBB2_1:
0x11: {  	[tilespmem:s3], [sflag:$0x2] =	stream.linear.gather [hbm4b:s5+s3], $0x100, $0x38;
	[tilespmem:$0x8100] =	vst v63  }
0x12: {  	_ =	swait.ge [sflag:s8], $0x100  }
0x13: {  	[sflag:s8] =	ssyncset.done $0x0  }
0x14: {  	[sflag:s8] =	ssyncadd.s32 $0xFFFFFF00  }
0x15: {  	[tilespmem:s9], [sflag:$0x2] =	stream.linear.gather [hbm4b:s4+s3], $0x8000, $0x38;
	[tilespmem:$0x8100] =	vst v63  }
0x16: {  	_ =	swait.ge [sflag:s8], $0x8000  }
0x17: {  	[sflag:s8] =	ssyncset.done $0x0  }
0x18: {  	[sflag:s8] =	ssyncadd.s32 $0xFFFF8000  }
0x19: {  	v3 =	vld [tilespmem:$0x0];
	_ =	sdelay $0x4  }
0x1a: {  	v4 =	vshll.u32 v3, $0x1  }
0x1b: {  	v3 =	vand.u32 $0x7, v3;
	v4 =	vand.u32 $0xFFFFFFF0, v4  }
0x1c: {  	v3 =	vor.u32 v3, v4  }
0x1d: {  	v4 =	vperm.xlane v3, v0;
	_ =	sdelay $0x1  }
0x1e: {  	v3 =	vperm.xlane v3, v2;
	v4 =	vadd.s32 v1, v4;
	_ =	sdelay $0x1  }
0x1f: {  	v3 =	vadd.s32 v1, v3;
	_ =	sdelay $0x2  }
0x20: {  	[hbm4b:s2+s3] =	stream.indirect_vreg.scatter [tilespmem:s9], [sflag:$0x1], $0x80, v4, vm0, $0xb8;
	[tilespmem:$0x8100] =	vst v63  }
0x21: {  	_ = 	snop  }
0x22: {  	[hbm4b:s2+s3] =	stream.indirect_vreg.scatter [tilespmem:s10], [sflag:$0x1], $0x80, v3, vm0, $0xb8;
	[tilespmem:$0x8100] =	vst v63  }
0x23: {  	v3 =	vld [tilespmem:$0x10];
	_ =	sdelay $0x4  }
0x24: {  	v49 =	vshll.u32 v3, $0x1  }
0x25: {  	v3 =	vand.u32 $0x7, v3;
	v4 =	vand.u32 $0xFFFFFFF0, v49  }
0x26: {  	v3 =	vor.u32 v3, v4  }
0x27: {  	v4 =	vperm.xlane v3, v0;
	_ =	sdelay $0x1  }
0x28: {  	v3 =	vperm.xlane v3, v2;
	v4 =	vadd.s32 v1, v4;
	_ =	sdelay $0x1  }
0x29: {  	v3 =	vadd.s32 v1, v3;
	_ =	sdelay $0x2  }
0x2a: {  	[hbm4b:s2+s3] =	stream.indirect_vreg.scatter [tilespmem:s11], [sflag:$0x1], $0x80, v4, vm0, $0xb8;
	[tilespmem:$0x8100] =	vst v63  }
0x2b: {  	_ = 	snop  }
0x2c: {  	[hbm4b:s2+s3] =	stream.indirect_vreg.scatter [tilespmem:s12], [sflag:$0x1], $0x80, v3, vm0, $0xb8;
	[tilespmem:$0x8100] =	vst v63  }
0x2d: {  	v3 =	vld [tilespmem:$0x20];
	_ =	sdelay $0x4  }
0x2e: {  	v50 =	vshll.u32 v3, $0x1  }
0x2f: {  	v3 =	vand.u32 $0x7, v3;
	v4 =	vand.u32 $0xFFFFFFF0, v50  }
0x30: {  	v3 =	vor.u32 v3, v4  }
0x31: {  	v4 =	vperm.xlane v3, v0;
	_ =	sdelay $0x1  }
0x32: {  	v3 =	vperm.xlane v3, v2;
	v4 =	vadd.s32 v1, v4;
	_ =	sdelay $0x1  }
0x33: {  	v3 =	vadd.s32 v1, v3;
	_ =	sdelay $0x2  }
0x34: {  	[hbm4b:s2+s3] =	stream.indirect_vreg.scatter [tilespmem:s13], [sflag:$0x1], $0x80, v4, vm0, $0xb8;
	[tilespmem:$0x8100] =	vst v63  }
0x35: {  	_ = 	snop  }
0x36: {  	[hbm4b:s2+s3] =	stream.indirect_vreg.scatter [tilespmem:s14], [sflag:$0x1], $0x80, v3, vm0, $0xb8;
	[tilespmem:$0x8100] =	vst v63  }
0x37: {  	v3 =	vld [tilespmem:$0x30];
	_ =	sdelay $0x4  }
0x38: {  	v51 =	vshll.u32 v3, $0x1  }
0x39: {  	v3 =	vand.u32 $0x7, v3;
	v4 =	vand.u32 $0xFFFFFFF0, v51  }
0x3a: {  	v3 =	vor.u32 v3, v4  }
0x3b: {  	v4 =	vperm.xlane v3, v0;
	_ =	sdelay $0x1  }
0x3c: {  	v3 =	vperm.xlane v3, v2;
	v4 =	vadd.s32 v1, v4;
	_ =	sdelay $0x1  }
0x3d: {  	v3 =	vadd.s32 v1, v3;
	_ =	sdelay $0x2  }
0x3e: {  	[hbm4b:s2+s3] =	stream.indirect_vreg.scatter [tilespmem:s15], [sflag:$0x1], $0x80, v4, vm0, $0xb8;
	[tilespmem:$0x8100] =	vst v63  }
0x3f: {  	_ = 	snop  }
0x40: {  	[hbm4b:s2+s3] =	stream.indirect_vreg.scatter [tilespmem:s16], [sflag:$0x1], $0x80, v3, vm0, $0xb8;
	[tilespmem:$0x8100] =	vst v63  }
0x41: {  	v3 =	vld [tilespmem:$0x40];
	_ =	sdelay $0x4  }
0x42: {  	v52 =	vshll.u32 v3, $0x1  }
0x43: {  	v3 =	vand.u32 $0x7, v3;
	v4 =	vand.u32 $0xFFFFFFF0, v52  }
0x44: {  	v3 =	vor.u32 v3, v4  }
0x45: {  	v4 =	vperm.xlane v3, v0;
	_ =	sdelay $0x1  }
0x46: {  	v3 =	vperm.xlane v3, v2;
	v4 =	vadd.s32 v1, v4;
	_ =	sdelay $0x1  }
0x47: {  	v3 =	vadd.s32 v1, v3;
	_ =	sdelay $0x2  }
0x48: {  	[hbm4b:s2+s3] =	stream.indirect_vreg.scatter [tilespmem:s17], [sflag:$0x1], $0x80, v4, vm0, $0xb8;
	[tilespmem:$0x8100] =	vst v63  }
0x49: {  	_ = 	snop  }
0x4a: {  	[hbm4b:s2+s3] =	stream.indirect_vreg.scatter [tilespmem:s18], [sflag:$0x1], $0x80, v3, vm0, $0xb8;
	[tilespmem:$0x8100] =	vst v63  }
0x4b: {  	v3 =	vld [tilespmem:$0x50];
	_ =	sdelay $0x4  }
0x4c: {  	v53 =	vshll.u32 v3, $0x1  }
0x4d: {  	v3 =	vand.u32 $0x7, v3;
	v4 =	vand.u32 $0xFFFFFFF0, v53  }
0x4e: {  	v3 =	vor.u32 v3, v4  }
0x4f: {  	v4 =	vperm.xlane v3, v0;
	_ =	sdelay $0x1  }
0x50: {  	v3 =	vperm.xlane v3, v2;
	v4 =	vadd.s32 v1, v4;
	_ =	sdelay $0x1  }
0x51: {  	v3 =	vadd.s32 v1, v3;
	_ =	sdelay $0x2  }
0x52: {  	[hbm4b:s2+s3] =	stream.indirect_vreg.scatter [tilespmem:s19], [sflag:$0x1], $0x80, v4, vm0, $0xb8;
	[tilespmem:$0x8100] =	vst v63  }
0x53: {  	_ = 	snop  }
0x54: {  	[hbm4b:s2+s3] =	stream.indirect_vreg.scatter [tilespmem:s20], [sflag:$0x1], $0x80, v3, vm0, $0xb8;
	[tilespmem:$0x8100] =	vst v63  }
0x55: {  	v3 =	vld [tilespmem:$0x60];
	_ =	sdelay $0x4  }
0x56: {  	v54 =	vshll.u32 v3, $0x1  }
0x57: {  	v3 =	vand.u32 $0x7, v3;
	v4 =	vand.u32 $0xFFFFFFF0, v54  }
0x58: {  	v3 =	vor.u32 v3, v4  }
0x59: {  	v4 =	vperm.xlane v3, v0;
	_ =	sdelay $0x1  }
0x5a: {  	v3 =	vperm.xlane v3, v2;
	v4 =	vadd.s32 v1, v4;
	_ =	sdelay $0x1  }
0x5b: {  	v3 =	vadd.s32 v1, v3;
	_ =	sdelay $0x2  }
0x5c: {  	[hbm4b:s2+s3] =	stream.indirect_vreg.scatter [tilespmem:s21], [sflag:$0x1], $0x80, v4, vm0, $0xb8;
	[tilespmem:$0x8100] =	vst v63  }
0x5d: {  	_ = 	snop  }
0x5e: {  	[hbm4b:s2+s3] =	stream.indirect_vreg.scatter [tilespmem:s22], [sflag:$0x1], $0x80, v3, vm0, $0xb8;
	[tilespmem:$0x8100] =	vst v63  }
0x5f: {  	v3 =	vld [tilespmem:$0x70];
	_ =	sdelay $0x4  }
0x60: {  	v55 =	vshll.u32 v3, $0x1  }
0x61: {  	v3 =	vand.u32 $0x7, v3;
	v4 =	vand.u32 $0xFFFFFFF0, v55  }
0x62: {  	v3 =	vor.u32 v3, v4  }
0x63: {  	v4 =	vperm.xlane v3, v0;
	_ =	sdelay $0x1  }
0x64: {  	v3 =	vperm.xlane v3, v2;
	v4 =	vadd.s32 v1, v4;
	_ =	sdelay $0x1  }
0x65: {  	v3 =	vadd.s32 v1, v3;
	_ =	sdelay $0x2  }
0x66: {  	[hbm4b:s2+s3] =	stream.indirect_vreg.scatter [tilespmem:s23], [sflag:$0x1], $0x80, v4, vm0, $0xb8;
	[tilespmem:$0x8100] =	vst v63  }
0x67: {  	_ = 	snop  }
0x68: {  	[hbm4b:s2+s3] =	stream.indirect_vreg.scatter [tilespmem:s24], [sflag:$0x1], $0x80, v3, vm0, $0xb8;
	[tilespmem:$0x8100] =	vst v63  }
0x69: {  	_ =	swait.ge [sflag:s25], $0x8000  }
0x6a: {  	[sflag:s25] =	ssyncset.done $0x0  }
0x6b: {  	[sflag:s25] =	ssyncadd.s32 $0xFFFF8000  }
0x6c: {  	[tilespmem:s9], [sflag:$0x2] =	stream.linear.gather [hbm4b:s6+s3], $0x8000, $0x38;
	[tilespmem:$0x8100] =	vst v63  }
0x6d: {  	_ =	swait.ge [sflag:s8], $0x8000  }
0x6e: {  	[sflag:s8] =	ssyncset.done $0x0  }
0x6f: {  	[sflag:s8] =	ssyncadd.s32 $0xFFFF8000  }
0x70: {  	v3 =	vld [tilespmem:$0x80];
	_ =	sdelay $0x4  }
0x71: {  	v56 =	vshll.u32 v3, $0x1  }
0x72: {  	v3 =	vand.u32 $0x7, v3;
	v4 =	vand.u32 $0xFFFFFFF0, v56  }
0x73: {  	v3 =	vor.u32 v3, v4  }
0x74: {  	v4 =	vperm.xlane v3, v0;
	_ =	sdelay $0x1  }
0x75: {  	v3 =	vperm.xlane v3, v2;
	v4 =	vadd.s32 v1, v4;
	_ =	sdelay $0x1  }
0x76: {  	v3 =	vadd.s32 v1, v3;
	_ =	sdelay $0x2  }
0x77: {  	[hbm4b:s2+s3] =	stream.indirect_vreg.scatter [tilespmem:s9], [sflag:$0x1], $0x80, v4, vm0, $0xb8;
	[tilespmem:$0x8100] =	vst v63  }
0x78: {  	_ = 	snop  }
0x79: {  	[hbm4b:s2+s3] =	stream.indirect_vreg.scatter [tilespmem:s10], [sflag:$0x1], $0x80, v3, vm0, $0xb8;
	[tilespmem:$0x8100] =	vst v63  }
0x7a: {  	v3 =	vld [tilespmem:$0x90];
	_ =	sdelay $0x4  }
0x7b: {  	v57 =	vshll.u32 v3, $0x1  }
0x7c: {  	v3 =	vand.u32 $0x7, v3;
	v4 =	vand.u32 $0xFFFFFFF0, v57  }
0x7d: {  	v3 =	vor.u32 v3, v4  }
0x7e: {  	v4 =	vperm.xlane v3, v0;
	_ =	sdelay $0x1  }
0x7f: {  	v3 =	vperm.xlane v3, v2;
	v4 =	vadd.s32 v1, v4;
	_ =	sdelay $0x1  }
0x80: {  	v3 =	vadd.s32 v1, v3;
	_ =	sdelay $0x2  }
0x81: {  	[hbm4b:s2+s3] =	stream.indirect_vreg.scatter [tilespmem:s11], [sflag:$0x1], $0x80, v4, vm0, $0xb8;
	[tilespmem:$0x8100] =	vst v63  }
0x82: {  	_ = 	snop  }
0x83: {  	[hbm4b:s2+s3] =	stream.indirect_vreg.scatter [tilespmem:s12], [sflag:$0x1], $0x80, v3, vm0, $0xb8;
	[tilespmem:$0x8100] =	vst v63  }
0x84: {  	v3 =	vld [tilespmem:$0xA0];
	_ =	sdelay $0x4  }
0x85: {  	v58 =	vshll.u32 v3, $0x1  }
0x86: {  	v3 =	vand.u32 $0x7, v3;
	v4 =	vand.u32 $0xFFFFFFF0, v58  }
0x87: {  	v3 =	vor.u32 v3, v4  }
0x88: {  	v4 =	vperm.xlane v3, v0;
	_ =	sdelay $0x1  }
0x89: {  	v3 =	vperm.xlane v3, v2;
	v4 =	vadd.s32 v1, v4;
	_ =	sdelay $0x1  }
0x8a: {  	v3 =	vadd.s32 v1, v3;
	_ =	sdelay $0x2  }
0x8b: {  	[hbm4b:s2+s3] =	stream.indirect_vreg.scatter [tilespmem:s13], [sflag:$0x1], $0x80, v4, vm0, $0xb8;
	[tilespmem:$0x8100] =	vst v63  }
0x8c: {  	_ = 	snop  }
0x8d: {  	[hbm4b:s2+s3] =	stream.indirect_vreg.scatter [tilespmem:s14], [sflag:$0x1], $0x80, v3, vm0, $0xb8;
	[tilespmem:$0x8100] =	vst v63  }
0x8e: {  	v3 =	vld [tilespmem:$0xB0];
	_ =	sdelay $0x4  }
0x8f: {  	v59 =	vshll.u32 v3, $0x1  }
0x90: {  	v3 =	vand.u32 $0x7, v3;
	v4 =	vand.u32 $0xFFFFFFF0, v59  }
0x91: {  	v3 =	vor.u32 v3, v4  }
0x92: {  	v4 =	vperm.xlane v3, v0;
	_ =	sdelay $0x1  }
0x93: {  	v3 =	vperm.xlane v3, v2;
	v4 =	vadd.s32 v1, v4;
	_ =	sdelay $0x1  }
0x94: {  	v3 =	vadd.s32 v1, v3;
	_ =	sdelay $0x2  }
0x95: {  	[hbm4b:s2+s3] =	stream.indirect_vreg.scatter [tilespmem:s15], [sflag:$0x1], $0x80, v4, vm0, $0xb8;
	[tilespmem:$0x8100] =	vst v63  }
0x96: {  	_ = 	snop  }
0x97: {  	[hbm4b:s2+s3] =	stream.indirect_vreg.scatter [tilespmem:s16], [sflag:$0x1], $0x80, v3, vm0, $0xb8;
	[tilespmem:$0x8100] =	vst v63  }
0x98: {  	v3 =	vld [tilespmem:$0xC0];
	_ =	sdelay $0x4  }
0x99: {  	v60 =	vshll.u32 v3, $0x1  }
0x9a: {  	v3 =	vand.u32 $0x7, v3;
	v4 =	vand.u32 $0xFFFFFFF0, v60  }
0x9b: {  	v3 =	vor.u32 v3, v4  }
0x9c: {  	v4 =	vperm.xlane v3, v0;
	_ =	sdelay $0x1  }
0x9d: {  	v3 =	vperm.xlane v3, v2;
	v4 =	vadd.s32 v1, v4;
	_ =	sdelay $0x1  }
0x9e: {  	v3 =	vadd.s32 v1, v3;
	_ =	sdelay $0x2  }
0x9f: {  	[hbm4b:s2+s3] =	stream.indirect_vreg.scatter [tilespmem:s17], [sflag:$0x1], $0x80, v4, vm0, $0xb8;
	[tilespmem:$0x8100] =	vst v63  }
0xa0: {  	_ = 	snop  }
0xa1: {  	[hbm4b:s2+s3] =	stream.indirect_vreg.scatter [tilespmem:s18], [sflag:$0x1], $0x80, v3, vm0, $0xb8;
	[tilespmem:$0x8100] =	vst v63  }
0xa2: {  	v3 =	vld [tilespmem:$0xD0];
	_ =	sdelay $0x4  }
0xa3: {  	v61 =	vshll.u32 v3, $0x1  }
0xa4: {  	v3 =	vand.u32 $0x7, v3;
	v4 =	vand.u32 $0xFFFFFFF0, v61  }
0xa5: {  	v3 =	vor.u32 v3, v4  }
0xa6: {  	v4 =	vperm.xlane v3, v0;
	_ =	sdelay $0x1  }
0xa7: {  	v3 =	vperm.xlane v3, v2;
	v4 =	vadd.s32 v1, v4;
	_ =	sdelay $0x1  }
0xa8: {  	v3 =	vadd.s32 v1, v3;
	_ =	sdelay $0x2  }
0xa9: {  	[hbm4b:s2+s3] =	stream.indirect_vreg.scatter [tilespmem:s19], [sflag:$0x1], $0x80, v4, vm0, $0xb8;
	[tilespmem:$0x8100] =	vst v63  }
0xaa: {  	_ = 	snop  }
0xab: {  	[hbm4b:s2+s3] =	stream.indirect_vreg.scatter [tilespmem:s20], [sflag:$0x1], $0x80, v3, vm0, $0xb8;
	[tilespmem:$0x8100] =	vst v63  }
0xac: {  	v3 =	vld [tilespmem:$0xE0];
	_ =	sdelay $0x4  }
0xad: {  	v62 =	vshll.u32 v3, $0x1  }
0xae: {  	v3 =	vand.u32 $0x7, v3;
	v4 =	vand.u32 $0xFFFFFFF0, v62  }
0xaf: {  	v3 =	vor.u32 v3, v4  }
0xb0: {  	v4 =	vperm.xlane v3, v0;
	_ =	sdelay $0x1  }
0xb1: {  	v3 =	vperm.xlane v3, v2;
	v4 =	vadd.s32 v1, v4;
	_ =	sdelay $0x1  }
0xb2: {  	v3 =	vadd.s32 v1, v3;
	_ =	sdelay $0x2  }
0xb3: {  	[hbm4b:s2+s3] =	stream.indirect_vreg.scatter [tilespmem:s21], [sflag:$0x1], $0x80, v4, vm0, $0xb8;
	[tilespmem:$0x8100] =	vst v63  }
0xb4: {  	_ = 	snop  }
0xb5: {  	[hbm4b:s2+s3] =	stream.indirect_vreg.scatter [tilespmem:s22], [sflag:$0x1], $0x80, v3, vm0, $0xb8;
	[tilespmem:$0x8100] =	vst v63  }
0xb6: {  	v3 =	vld [tilespmem:$0xF0];
	_ =	sdelay $0x4  }
0xb7: {  	v63 =	vshll.u32 v3, $0x1  }
0xb8: {  	v3 =	vand.u32 $0x7, v3;
	v4 =	vand.u32 $0xFFFFFFF0, v63  }
0xb9: {  	v3 =	vor.u32 v3, v4  }
0xba: {  	v4 =	vperm.xlane v3, v0;
	_ =	sdelay $0x1  }
0xbb: {  	v3 =	vperm.xlane v3, v2;
	v4 =	vadd.s32 v1, v4;
	_ =	sdelay $0x1  }
0xbc: {  	v3 =	vadd.s32 v1, v3;
	_ =	sdelay $0x1  }
0xbd: {  	p0 =	sne.s32 s7, $0x1  }
0xbe: {  	[hbm4b:s2+s3] =	stream.indirect_vreg.scatter [tilespmem:s23], [sflag:$0x1], $0x80, v4, vm0, $0xb8;
	[tilespmem:$0x8100] =	vst v63  }
.Ltmp0:
0xbf: {  	_ = 	snop;
	(pc) =	sbr.rel @p0 .LBB2_1-.Ltmp0, $4  }
0xc0: {  	[hbm4b:s2+s3] =	stream.indirect_vreg.scatter [tilespmem:s24], [sflag:$0x1], $0x80, v3, vm0, $0xb8;
	[tilespmem:$0x8100] =	vst v63  }
0xc1: {  	_ =	swait.ge [sflag:s25], $0x8000  }
0xc2: {  	[sflag:s25] =	ssyncset.done $0x0  }
0xc3: {  	s7 =	sadd.s32 $0xFFFFFFFF, s7;
	[sflag:s25] =	ssyncadd.s32 $0xFFFF8000  }
0xc4: {  	_ =	sfence.sel $0x180000  }
0xc5: {  	[bflag:$0x0] =	sbarrier.arrive $0xFFFF  }
0xc6: {  	p0 =	sne.s32 s1, $0x0;
	_ =	strace $0x90000047  }
0xc7: {  	s0 =	sadd.s32 @!p0 $0x100000, s0;
	[bflag:$0x2] =	sbarrier.arrive $0xFFFF  }
0xc8: {  	[sflag:s0] =	ssyncadd.tile.s32 @!p0 $0x1;
	_ =	shalt  }
.Lfunc_end2:
_tile_overlayer_lowered:
.L_overlay_start_2:
0xc9: {  	(tag) =	ssettag $0x2  }
0xca: {  	s0 =	rddreg [dreg:$0x0];
	s2 =	stileid.u32  }
0xcb: {  	s1 =	rddreg [dreg:$0x1];
	p0 =	sne.s32 s2, $0x0  }
0xcc: {  	s3 =	rddreg [dreg:$0x2];
	[bflag:$0x3] =	sbarrier.arrive $0xFFFF;
	s2 =	simm.s32 @!p0 $0x1C02  }
0xcd: {  	[timem:s3], [sflag:s2] =	dma.local @!p0 [hbm:s0], s1  }
0xce: {  	s0 =	simm.s32 @!p0 $0x2  }
0xcf: {  	_ =	swait.ge @!p0 [sflag:s0], s1  }
0xd0: {  	s1 =	ssub.s32 @!p0 $0x0, s1;
	[sflag:s0] =	ssyncset.done @!p0 $0x0  }
0xd1: {  	[sflag:s0] =	ssyncadd.s32 @!p0 s1  }
0xd2: {  	[bflag:$0x3] =	sbarrier.arrive $0xFFFF  }
0xd3: {  	_ =	shalt  }

</sc_bundles>
